<compile_context>
chip_gen: v7x
topology: tpu7x:2x2x1
jax: 0.10.2.dev20260603
libtpu: 0.0.44.dev20260713+nightly
codegen_flags: <defaults>
</compile_context>

<pallas_src>
import functools

import jax
import jax.numpy as jnp
from jax import lax
from jax.experimental import pallas as pl
from jax.experimental.pallas import tpu as pltpu
from jax.experimental.pallas import tpu_sc as plsc

N = 10000
E = 320000
D = 128
H = 128
O = 64

NC = 2
NS = 16
NW = NC * NS
RPT = 320
NPAD = NW * RPT
CH = 1280
NCHUNK = E // CH
G = 64


def _sc_agg_body(x_hbm, edge_hbm, sum_hbm, max_hbm, deg_hbm,
                 src_v, dst_v, sel_src, sel_dst, rows_v,
                 sum_acc, max_acc, deg_acc, sem):
    wid = lax.axis_index("s") * NC + lax.axis_index("c")
    lo = wid * RPT

    zero16 = jnp.zeros((16,), jnp.float32)
    ninf16 = jnp.full((16,), -jnp.inf, jnp.float32)
    izero16 = jnp.zeros((16,), jnp.int32)
    ione16 = jnp.ones((16,), jnp.int32)
    dump16 = jnp.full((16,), RPT, jnp.int32)

    def _init_row(r, _):
        for k in range(D // 16):
            sum_acc[r, pl.ds(k * 16, 16)] = zero16
            max_acc[r, pl.ds(k * 16, 16)] = ninf16
        return 0
    lax.fori_loop(0, RPT + 1, _init_row, 0)

    def _init_small(i, _):
        deg_acc[pl.ds(i * 16, 16)] = izero16
        return 0
    lax.fori_loop(0, RPT // 16, _init_small, 0)

    def _init_sel(i, _):
        sel_src[pl.ds(i * 16, 16)] = izero16
        return 0
    lax.fori_loop(0, (CH + G) // 16, _init_sel, 0)

    def _chunk(c, _):
        base = c * CH
        pltpu.sync_copy(edge_hbm.at[0, pl.ds(base, CH)], src_v)
        pltpu.sync_copy(edge_hbm.at[1, pl.ds(base, CH)], dst_v)

        def _filt(i, n_sel):
            d16 = dst_v[pl.ds(i * 16, 16)]
            s16 = src_v[pl.ds(i * 16, 16)]
            m = (d16 >= lo) & (d16 < lo + RPT)
            dl16 = d16 - lo
            cs = plsc.cumsum(m.astype(jnp.int32))
            pos = n_sel + cs - 1
            plsc.store_scatter(sel_src, [pos], s16, mask=m)
            plsc.store_scatter(sel_dst, [pos], dl16, mask=m)
            plsc.addupdate_scatter(deg_acc, [dl16], ione16, mask=m)
            return n_sel + cs[15]
        n_sel = lax.fori_loop(0, CH // 16, _filt, 0)

        sel_dst[pl.ds(0, 16)] = dump16 + n_sel
        return 0
    lax.fori_loop(0, NCHUNK, _chunk, 0)

    pltpu.sync_copy(sum_acc.at[pl.ds(0, RPT)], sum_hbm.at[pl.ds(lo, RPT)])
    pltpu.sync_copy(max_acc.at[pl.ds(0, RPT)], max_hbm.at[pl.ds(lo, RPT)])
    pltpu.sync_copy(deg_acc, deg_hbm.at[wid])


@jax.jit
def _sc_aggregate(x, edge_index):
    mesh = plsc.VectorSubcoreMesh(core_axis_name="c", subcore_axis_name="s")
    k = functools.partial(
        pl.kernel, mesh=mesh,
        compiler_params=pltpu.CompilerParams(needs_layout_passes=False),
        out_type=(
            jax.ShapeDtypeStruct((NPAD, D), jnp.float32),
            jax.ShapeDtypeStruct((NPAD, D), jnp.float32),
            jax.ShapeDtypeStruct((NW, RPT), jnp.int32),
        ),
        scratch_types=[
            pltpu.VMEM((CH,), jnp.int32),
            pltpu.VMEM((CH,), jnp.int32),
            pltpu.VMEM((CH + G,), jnp.int32),
            pltpu.VMEM((CH + G,), jnp.int32),
            pltpu.VMEM((G, D), jnp.float32),
            pltpu.VMEM((RPT + 1, D), jnp.float32),
            pltpu.VMEM((RPT + 1, D), jnp.float32),
            pltpu.VMEM((RPT,), jnp.int32),
            pltpu.SemaphoreType.DMA,
        ],
    )(_sc_agg_body)
    return k(x, edge_index)


def _tc_dense_body(sum_ref, max_ref, deg_ref, x_ref,
                   wlm_ref, wrm_ref, wlx_ref, wrx_ref, wpl_ref, wpr_ref,
                   bm_ref, bx_ref, bp_ref, out_ref):
    deg = jnp.maximum(deg_ref[...].astype(jnp.float32), 1.0)
    mean = sum_ref[...] / deg
    mx = max_ref[...]
    mx = jnp.where(jnp.isneginf(mx), 0.0, mx)
    xb = x_ref[...]
    hm = jnp.dot(mean, wlm_ref[...], preferred_element_type=jnp.float32)
    hm = hm + jnp.dot(xb, wrm_ref[...], preferred_element_type=jnp.float32)
    hm = hm + bm_ref[...]
    hx = jnp.dot(mx, wlx_ref[...], preferred_element_type=jnp.float32)
    hx = hx + jnp.dot(xb, wrx_ref[...], preferred_element_type=jnp.float32)
    hx = hx + bx_ref[...]
    logits = jnp.dot(hm, wpl_ref[...], preferred_element_type=jnp.float32)
    logits = logits + jnp.dot(hx, wpr_ref[...], preferred_element_type=jnp.float32)
    logits = logits + bp_ref[...]
    m = jnp.max(logits, axis=-1, keepdims=True)
    z = logits - m
    out_ref[...] = z - jnp.log(jnp.sum(jnp.exp(z), axis=-1, keepdims=True))


@jax.jit
def _tc_dense(sum_agg, max_agg, deg, xp, wlm, wrm, wlx, wrx, wpl, wpr,
              bm, bx, bp):
    BR = 256
    grid = (NPAD // BR,)
    blk = lambda i: (i, 0)
    fix = lambda i: (0, 0)
    return pl.pallas_call(
        _tc_dense_body,
        grid=grid,
        in_specs=[
            pl.BlockSpec((BR, D), blk),
            pl.BlockSpec((BR, D), blk),
            pl.BlockSpec((BR, 1), blk),
            pl.BlockSpec((BR, D), blk),
            pl.BlockSpec((D, H), fix),
            pl.BlockSpec((D, H), fix),
            pl.BlockSpec((D, H), fix),
            pl.BlockSpec((D, H), fix),
            pl.BlockSpec((H, O), fix),
            pl.BlockSpec((H, O), fix),
            pl.BlockSpec((1, H), fix),
            pl.BlockSpec((1, H), fix),
            pl.BlockSpec((1, O), fix),
        ],
        out_specs=pl.BlockSpec((BR, O), blk),
        out_shape=jax.ShapeDtypeStruct((NPAD, O), jnp.float32),
    )(sum_agg, max_agg, deg, xp, wlm, wrm, wlx, wrx, wpl, wpr, bm, bx, bp)


def kernel(x, edge_index, Wl_mean, Wr_mean, b_mean, Wl_max, Wr_max, b_max,
           W_post, b_post):
    sum_agg, max_agg, deg2d = _sc_aggregate(x, edge_index)
    deg = deg2d.reshape(NPAD, 1)
    xp = jnp.pad(x, ((0, NPAD - N), (0, 0)))
    out = _tc_dense(sum_agg, max_agg, deg, xp,
                    Wl_mean.T, Wr_mean.T, Wl_max.T, Wr_max.T,
                    W_post[:, :H].T, W_post[:, H:].T,
                    b_mean.reshape(1, H), b_max.reshape(1, H),
                    b_post.reshape(1, O))
    return out[:N]

# --- scband reference (transcript-rebuilt; emitter-appended) ---
"""Pipeline reference for scband-graph-sageplus-plus-da-8830452760803 (READ-ONLY COPY).

The authoritative reference and input builder live on the scoring server;
editing this copy changes nothing except your own understanding.
"""

import jax, jax.numpy as jnp
import numpy as np

N = 10000
E = 320000
D = 128
H = 128
O = 64


def setup_inputs(seed: int = 0) -> dict:
    key = jax.random.key(seed)
    ks = jax.random.split(key, 10)
    x = jax.random.normal(ks[0], (N, D), dtype=jnp.float32)
    edge_index = jax.random.randint(ks[1], (2, E), 0, N, dtype=jnp.int32)
    s_in = 1.0 / np.sqrt(D)
    s_h = 1.0 / np.sqrt(2 * H)
    Wl_mean = jax.random.uniform(ks[2], (H, D), jnp.float32, -s_in, s_in)
    Wr_mean = jax.random.uniform(ks[3], (H, D), jnp.float32, -s_in, s_in)
    b_mean = jnp.zeros((H,), jnp.float32)
    Wl_max = jax.random.uniform(ks[4], (H, D), jnp.float32, -s_in, s_in)
    Wr_max = jax.random.uniform(ks[5], (H, D), jnp.float32, -s_in, s_in)
    b_max = jnp.zeros((H,), jnp.float32)
    W_post = jax.random.uniform(ks[6], (O, 2 * H), jnp.float32, -s_h, s_h)
    b_post = jax.random.uniform(ks[7], (O,), jnp.float32, -s_h, s_h)
    return {"x": x, "edge_index": edge_index, "Wl_mean": Wl_mean, "Wr_mean": Wr_mean,
            "b_mean": b_mean, "Wl_max": Wl_max, "Wr_max": Wr_max, "b_max": b_max,
            "W_post": W_post, "b_post": b_post}


def reference(x, edge_index, Wl_mean, Wr_mean, b_mean, Wl_max, Wr_max, b_max, W_post, b_post):
    # adjs = [(edge_index, None, (N, N))], num_layers = 1 (single bipartite layer)
    src = edge_index[0]
    dst = edge_index[1]
    x_target = x[:N]
    msg = x[src]  # gather source node features per edge [E, D]
    # mean aggregation (SAGEConv aggr='mean')
    deg = jax.ops.segment_sum(jnp.ones((E,), jnp.float32), dst, num_segments=N)
    sum_agg = jax.ops.segment_sum(msg, dst, num_segments=N)
    mean_agg = sum_agg / jnp.clip(deg, 1.0, None)[:, None]
    # max aggregation (SAGEConv aggr='max'); empty segments -> 0 like PyG
    max_agg = jax.ops.segment_max(msg, dst, num_segments=N)
    max_agg = jnp.where(jnp.isneginf(max_agg), 0.0, max_agg)
    # SAGEConv: lin_l(aggr) + lin_r(x_dst)
    h_mean = mean_agg @ Wl_mean.T + x_target @ Wr_mean.T + b_mean
    h_max = max_agg @ Wl_max.T + x_target @ Wr_max.T + b_max
    h = jnp.concatenate([h_mean, h_max], axis=-1)
    out = h @ W_post.T + b_post
    return jax.nn.log_softmax(out, axis=-1)

if __name__ == "__main__":
    import jax
    _d = setup_inputs()
    print(jax.jit(kernel)(*tuple(_d.values())))

</pallas_src>

<mosaic_0001>
#map = affine_map<(d0, d1) -> (0, 0)>
module attributes {stable_mosaic.version = 14 : i64} {
  func.func @_sc_agg_body(%arg0: i32, %arg1: i32, %arg2: memref<10000x128xf32, #tpu.memory_space<hbm>>, %arg3: memref<2x320000xi32, #tpu.memory_space<hbm>>, %arg4: memref<10240x128xf32, #tpu.memory_space<hbm>>, %arg5: memref<10240x128xf32, #tpu.memory_space<hbm>>, %arg6: memref<32x320xi32, #tpu.memory_space<hbm>>, %arg7: memref<1280xi32, #tpu.memory_space<vmem>>, %arg8: memref<1280xi32, #tpu.memory_space<vmem>>, %arg9: memref<1344xi32, #tpu.memory_space<vmem>>, %arg10: memref<1344xi32, #tpu.memory_space<vmem>>, %arg11: memref<64x128xf32, #tpu.memory_space<vmem>>, %arg12: memref<321x128xf32, #tpu.memory_space<vmem>>, %arg13: memref<321x128xf32, #tpu.memory_space<vmem>>, %arg14: memref<320xi32, #tpu.memory_space<vmem>>, %arg15: memref<!tpu.dma_semaphore, #tpu.memory_space<semaphore_mem>>) attributes {dimension_semantics = [#tpu.dimension_semantics<core_parallel>, #tpu.dimension_semantics<subcore_parallel>], iteration_bounds = array<i64: 2, 16>, scalar_prefetch = 0 : i64, scratch_operands = 9 : i64, tpu.core_type = #tpu.core_type<sc_vector_subcore>, window_params = [{transform_indices = #map}, {transform_indices = #map}, {transform_indices = #map}, {transform_indices = #map}, {transform_indices = #map}]} {
    %mul3A = arith.constant 2 : i32
    %mul3A_0 = arith.muli %arg1, %mul3A : i32
    %add3A = arith.addi %mul3A_0, %arg0 : i32
    %mul3A_1 = arith.constant 320 : i32
    %mul3A_2 = arith.muli %add3A, %mul3A_1 : i32
    %broadcast_in_dim3A = arith.constant 0.000000e+00 : f32
    %broadcast_in_dim3A_3 = vector.broadcast %broadcast_in_dim3A : f32 to vector<16xf32>
    %broadcast_in_dim3A_4 = arith.constant 0xFF800000 : f32
    %broadcast_in_dim3A_5 = vector.broadcast %broadcast_in_dim3A_4 : f32 to vector<16xf32>
    %broadcast_in_dim3A_6 = arith.constant 0 : i32
    %broadcast_in_dim3A_7 = vector.broadcast %broadcast_in_dim3A_6 : i32 to vector<16xi32>
    %broadcast_in_dim3A_8 = arith.constant 1 : i32
    %broadcast_in_dim3A_9 = vector.broadcast %broadcast_in_dim3A_8 : i32 to vector<16xi32>
    %broadcast_in_dim3A_10 = arith.constant 320 : i32
    %broadcast_in_dim3A_11 = vector.broadcast %broadcast_in_dim3A_10 : i32 to vector<16xi32>
    %scan3A = arith.constant 0 : i32
    %scan3A_12 = arith.constant 0 : i32
    %scan3A_13 = arith.constant 321 : i32
    %scan3A_14 = arith.addi %scan3A_12, %scan3A_13 : i32
    %scan3A_15 = arith.constant 1 : i32
    %scan3A_16 = scf.for %scan3A_39 = %scan3A_12 to %scan3A_14 step %scan3A_15 iter_args(%scan3A_40 = %scan3A) -> (i32)  : i32 {
      %swap3A = arith.index_cast %scan3A_39 : i32 to index
      %swap3A_41 = arith.constant 0 : index
      %swap3A_42 = tpu.vector_load %arg12[%swap3A, %swap3A_41] {strides = array<i32>} : memref<321x128xf32, #tpu.memory_space<vmem>>, vector<16xf32>,
      tpu.vector_store %arg12[%swap3A, %swap3A_41], %broadcast_in_dim3A_3 {strides = array<i32>} : memref<321x128xf32, #tpu.memory_space<vmem>>, vector<16xf32>,
      %swap3A_43 = arith.index_cast %scan3A_39 : i32 to index
      %swap3A_44 = arith.constant 0 : index
      %swap3A_45 = tpu.vector_load %arg13[%swap3A_43, %swap3A_44] {strides = array<i32>} : memref<321x128xf32, #tpu.memory_space<vmem>>, vector<16xf32>,
      tpu.vector_store %arg13[%swap3A_43, %swap3A_44], %broadcast_in_dim3A_5 {strides = array<i32>} : memref<321x128xf32, #tpu.memory_space<vmem>>, vector<16xf32>,
      %swap3A_46 = arith.index_cast %scan3A_39 : i32 to index
      %swap3A_47 = arith.constant 16 : index
      %swap3A_48 = tpu.vector_load %arg12[%swap3A_46, %swap3A_47] {strides = array<i32>} : memref<321x128xf32, #tpu.memory_space<vmem>>, vector<16xf32>,
      tpu.vector_store %arg12[%swap3A_46, %swap3A_47], %broadcast_in_dim3A_3 {strides = array<i32>} : memref<321x128xf32, #tpu.memory_space<vmem>>, vector<16xf32>,
      %swap3A_49 = arith.index_cast %scan3A_39 : i32 to index
      %swap3A_50 = arith.constant 16 : index
      %swap3A_51 = tpu.vector_load %arg13[%swap3A_49, %swap3A_50] {strides = array<i32>} : memref<321x128xf32, #tpu.memory_space<vmem>>, vector<16xf32>,
      tpu.vector_store %arg13[%swap3A_49, %swap3A_50], %broadcast_in_dim3A_5 {strides = array<i32>} : memref<321x128xf32, #tpu.memory_space<vmem>>, vector<16xf32>,
      %swap3A_52 = arith.index_cast %scan3A_39 : i32 to index
      %swap3A_53 = arith.constant 32 : index
      %swap3A_54 = tpu.vector_load %arg12[%swap3A_52, %swap3A_53] {strides = array<i32>} : memref<321x128xf32, #tpu.memory_space<vmem>>, vector<16xf32>,
      tpu.vector_store %arg12[%swap3A_52, %swap3A_53], %broadcast_in_dim3A_3 {strides = array<i32>} : memref<321x128xf32, #tpu.memory_space<vmem>>, vector<16xf32>,
      %swap3A_55 = arith.index_cast %scan3A_39 : i32 to index
      %swap3A_56 = arith.constant 32 : index
      %swap3A_57 = tpu.vector_load %arg13[%swap3A_55, %swap3A_56] {strides = array<i32>} : memref<321x128xf32, #tpu.memory_space<vmem>>, vector<16xf32>,
      tpu.vector_store %arg13[%swap3A_55, %swap3A_56], %broadcast_in_dim3A_5 {strides = array<i32>} : memref<321x128xf32, #tpu.memory_space<vmem>>, vector<16xf32>,
      %swap3A_58 = arith.index_cast %scan3A_39 : i32 to index
      %swap3A_59 = arith.constant 48 : index
      %swap3A_60 = tpu.vector_load %arg12[%swap3A_58, %swap3A_59] {strides = array<i32>} : memref<321x128xf32, #tpu.memory_space<vmem>>, vector<16xf32>,
      tpu.vector_store %arg12[%swap3A_58, %swap3A_59], %broadcast_in_dim3A_3 {strides = array<i32>} : memref<321x128xf32, #tpu.memory_space<vmem>>, vector<16xf32>,
      %swap3A_61 = arith.index_cast %scan3A_39 : i32 to index
      %swap3A_62 = arith.constant 48 : index
      %swap3A_63 = tpu.vector_load %arg13[%swap3A_61, %swap3A_62] {strides = array<i32>} : memref<321x128xf32, #tpu.memory_space<vmem>>, vector<16xf32>,
      tpu.vector_store %arg13[%swap3A_61, %swap3A_62], %broadcast_in_dim3A_5 {strides = array<i32>} : memref<321x128xf32, #tpu.memory_space<vmem>>, vector<16xf32>,
      %swap3A_64 = arith.index_cast %scan3A_39 : i32 to index
      %swap3A_65 = arith.constant 64 : index
      %swap3A_66 = tpu.vector_load %arg12[%swap3A_64, %swap3A_65] {strides = array<i32>} : memref<321x128xf32, #tpu.memory_space<vmem>>, vector<16xf32>,
      tpu.vector_store %arg12[%swap3A_64, %swap3A_65], %broadcast_in_dim3A_3 {strides = array<i32>} : memref<321x128xf32, #tpu.memory_space<vmem>>, vector<16xf32>,
      %swap3A_67 = arith.index_cast %scan3A_39 : i32 to index
      %swap3A_68 = arith.constant 64 : index
      %swap3A_69 = tpu.vector_load %arg13[%swap3A_67, %swap3A_68] {strides = array<i32>} : memref<321x128xf32, #tpu.memory_space<vmem>>, vector<16xf32>,
      tpu.vector_store %arg13[%swap3A_67, %swap3A_68], %broadcast_in_dim3A_5 {strides = array<i32>} : memref<321x128xf32, #tpu.memory_space<vmem>>, vector<16xf32>,
      %swap3A_70 = arith.index_cast %scan3A_39 : i32 to index
      %swap3A_71 = arith.constant 80 : index
      %swap3A_72 = tpu.vector_load %arg12[%swap3A_70, %swap3A_71] {strides = array<i32>} : memref<321x128xf32, #tpu.memory_space<vmem>>, vector<16xf32>,
      tpu.vector_store %arg12[%swap3A_70, %swap3A_71], %broadcast_in_dim3A_3 {strides = array<i32>} : memref<321x128xf32, #tpu.memory_space<vmem>>, vector<16xf32>,
      %swap3A_73 = arith.index_cast %scan3A_39 : i32 to index
      %swap3A_74 = arith.constant 80 : index
      %swap3A_75 = tpu.vector_load %arg13[%swap3A_73, %swap3A_74] {strides = array<i32>} : memref<321x128xf32, #tpu.memory_space<vmem>>, vector<16xf32>,
      tpu.vector_store %arg13[%swap3A_73, %swap3A_74], %broadcast_in_dim3A_5 {strides = array<i32>} : memref<321x128xf32, #tpu.memory_space<vmem>>, vector<16xf32>,
      %swap3A_76 = arith.index_cast %scan3A_39 : i32 to index
      %swap3A_77 = arith.constant 96 : index
      %swap3A_78 = tpu.vector_load %arg12[%swap3A_76, %swap3A_77] {strides = array<i32>} : memref<321x128xf32, #tpu.memory_space<vmem>>, vector<16xf32>,
      tpu.vector_store %arg12[%swap3A_76, %swap3A_77], %broadcast_in_dim3A_3 {strides = array<i32>} : memref<321x128xf32, #tpu.memory_space<vmem>>, vector<16xf32>,
      %swap3A_79 = arith.index_cast %scan3A_39 : i32 to index
      %swap3A_80 = arith.constant 96 : index
      %swap3A_81 = tpu.vector_load %arg13[%swap3A_79, %swap3A_80] {strides = array<i32>} : memref<321x128xf32, #tpu.memory_space<vmem>>, vector<16xf32>,
      tpu.vector_store %arg13[%swap3A_79, %swap3A_80], %broadcast_in_dim3A_5 {strides = array<i32>} : memref<321x128xf32, #tpu.memory_space<vmem>>, vector<16xf32>,
      %swap3A_82 = arith.index_cast %scan3A_39 : i32 to index
      %swap3A_83 = arith.constant 112 : index
      %swap3A_84 = tpu.vector_load %arg12[%swap3A_82, %swap3A_83] {strides = array<i32>} : memref<321x128xf32, #tpu.memory_space<vmem>>, vector<16xf32>,
      tpu.vector_store %arg12[%swap3A_82, %swap3A_83], %broadcast_in_dim3A_3 {strides = array<i32>} : memref<321x128xf32, #tpu.memory_space<vmem>>, vector<16xf32>,
      %swap3A_85 = arith.index_cast %scan3A_39 : i32 to index
      %swap3A_86 = arith.constant 112 : index
      %swap3A_87 = tpu.vector_load %arg13[%swap3A_85, %swap3A_86] {strides = array<i32>} : memref<321x128xf32, #tpu.memory_space<vmem>>, vector<16xf32>,
      tpu.vector_store %arg13[%swap3A_85, %swap3A_86], %broadcast_in_dim3A_5 {strides = array<i32>} : memref<321x128xf32, #tpu.memory_space<vmem>>, vector<16xf32>,
      %scan3A_88 = arith.constant 0 : i32
      scf.yield %scan3A_88 : i32
    }
    %scan3A_17 = arith.constant 321 : i32
    %scan3A_18 = arith.constant 0 : i32
    %scan3A_19 = arith.constant 0 : i32
    %scan3A_20 = arith.constant 20 : i32
    %scan3A_21 = arith.addi %scan3A_19, %scan3A_20 : i32
    %scan3A_22 = arith.constant 1 : i32
    %scan3A_23 = scf.for %scan3A_39 = %scan3A_19 to %scan3A_21 step %scan3A_22 iter_args(%scan3A_40 = %scan3A_18) -> (i32)  : i32 {
      %mul3A_41 = arith.constant 16 : i32
      %mul3A_42 = arith.muli %scan3A_39, %mul3A_41 : i32
      %swap3A = arith.index_cast %mul3A_42 : i32 to index
      %swap3A_43 = tpu.vector_load %arg14[%swap3A] {strides = array<i32>} : memref<320xi32, #tpu.memory_space<vmem>>, vector<16xi32>,
      tpu.vector_store %arg14[%swap3A], %broadcast_in_dim3A_7 {strides = array<i32>} : memref<320xi32, #tpu.memory_space<vmem>>, vector<16xi32>,
      %scan3A_44 = arith.constant 0 : i32
      scf.yield %scan3A_44 : i32
    }
    %scan3A_24 = arith.constant 20 : i32
    %scan3A_25 = arith.constant 0 : i32
    %scan3A_26 = arith.constant 0 : i32
    %scan3A_27 = arith.constant 84 : i32
    %scan3A_28 = arith.addi %scan3A_26, %scan3A_27 : i32
    %scan3A_29 = arith.constant 1 : i32
    %scan3A_30 = scf.for %scan3A_39 = %scan3A_26 to %scan3A_28 step %scan3A_29 iter_args(%scan3A_40 = %scan3A_25) -> (i32)  : i32 {
      %mul3A_41 = arith.constant 16 : i32
      %mul3A_42 = arith.muli %scan3A_39, %mul3A_41 : i32
      %swap3A = arith.index_cast %mul3A_42 : i32 to index
      %swap3A_43 = tpu.vector_load %arg9[%swap3A] {strides = array<i32>} : memref<1344xi32, #tpu.memory_space<vmem>>, vector<16xi32>,
      tpu.vector_store %arg9[%swap3A], %broadcast_in_dim3A_7 {strides = array<i32>} : memref<1344xi32, #tpu.memory_space<vmem>>, vector<16xi32>,
      %scan3A_44 = arith.constant 0 : i32
      scf.yield %scan3A_44 : i32
    }
    %scan3A_31 = arith.constant 84 : i32
    %scan3A_32 = arith.constant 0 : i32
    %scan3A_33 = arith.constant 0 : i32
    %scan3A_34 = arith.constant 250 : i32
    %scan3A_35 = arith.addi %scan3A_33, %scan3A_34 : i32
    %scan3A_36 = arith.constant 1 : i32
    %scan3A_37 = scf.for %scan3A_39 = %scan3A_33 to %scan3A_35 step %scan3A_36 iter_args(%scan3A_40 = %scan3A_32) -> (i32)  : i32 {
      %mul3A_41 = arith.constant 1280 : i32
      %mul3A_42 = arith.muli %scan3A_39, %mul3A_41 : i32
      %run_scoped3A = arith.constant 0 : i32
      "tpu.region"() ({
        %run_scoped3A_55 = tpu.sem_alloc : memref<!tpu.dma_semaphore, #tpu.memory_space<semaphore_mem>>
        %dma_start3A = tpu.memref_slice %arg3[%run_scoped3A, %mul3A_42] : memref<2x320000xi32, #tpu.memory_space<hbm>> -> memref<1x1280xi32, #tpu.memory_space<hbm>>
        %dma_start3A_56 = tpu.memref_squeeze %dma_start3A : memref<1x1280xi32, #tpu.memory_space<hbm>> -> memref<1280xi32, #tpu.memory_space<hbm>>
        %dma_start3A_57 = tpu.memref_slice %arg3[%run_scoped3A, %mul3A_42] : memref<2x320000xi32, #tpu.memory_space<hbm>> -> memref<1x1280xi32, #tpu.memory_space<hbm>>
        %dma_start3A_58 = tpu.memref_squeeze %dma_start3A_57 : memref<1x1280xi32, #tpu.memory_space<hbm>> -> memref<1280xi32, #tpu.memory_space<hbm>>
        tpu.enqueue_dma source(%dma_start3A_58 : memref<1280xi32, #tpu.memory_space<hbm>>) target(%arg7 : memref<1280xi32, #tpu.memory_space<vmem>>) target_semaphore(%run_scoped3A_55 : memref<!tpu.dma_semaphore, #tpu.memory_space<semaphore_mem>>)
        %dma_wait3A = tpu.memref_slice %arg3[%run_scoped3A, %mul3A_42] : memref<2x320000xi32, #tpu.memory_space<hbm>> -> memref<1x1280xi32, #tpu.memory_space<hbm>>
        %dma_wait3A_59 = tpu.memref_squeeze %dma_wait3A : memref<1x1280xi32, #tpu.memory_space<hbm>> -> memref<1280xi32, #tpu.memory_space<hbm>>
        %dma_wait3A_60 = tpu.memref_slice %arg3[%run_scoped3A, %mul3A_42] : memref<2x320000xi32, #tpu.memory_space<hbm>> -> memref<1x1280xi32, #tpu.memory_space<hbm>>
        %dma_wait3A_61 = tpu.memref_squeeze %dma_wait3A_60 : memref<1x1280xi32, #tpu.memory_space<hbm>> -> memref<1280xi32, #tpu.memory_space<hbm>>
        tpu.wait_dma2 semaphore(%run_scoped3A_55 : memref<!tpu.dma_semaphore, #tpu.memory_space<semaphore_mem>>) src(%dma_wait3A_61 : memref<1280xi32, #tpu.memory_space<hbm>>) dst(%arg7 : memref<1280xi32, #tpu.memory_space<vmem>>)
        tpu.yield
      }) : () -> ()
      %run_scoped3A_43 = arith.constant 1 : i32
      "tpu.region"() ({
        %run_scoped3A_55 = tpu.sem_alloc : memref<!tpu.dma_semaphore, #tpu.memory_space<semaphore_mem>>
        %dma_start3A = tpu.memref_slice %arg3[%run_scoped3A_43, %mul3A_42] : memref<2x320000xi32, #tpu.memory_space<hbm>> -> memref<1x1280xi32, #tpu.memory_space<hbm>>
        %dma_start3A_56 = tpu.memref_squeeze %dma_start3A : memref<1x1280xi32, #tpu.memory_space<hbm>> -> memref<1280xi32, #tpu.memory_space<hbm>>
        %dma_start3A_57 = tpu.memref_slice %arg3[%run_scoped3A_43, %mul3A_42] : memref<2x320000xi32, #tpu.memory_space<hbm>> -> memref<1x1280xi32, #tpu.memory_space<hbm>>
        %dma_start3A_58 = tpu.memref_squeeze %dma_start3A_57 : memref<1x1280xi32, #tpu.memory_space<hbm>> -> memref<1280xi32, #tpu.memory_space<hbm>>
        tpu.enqueue_dma source(%dma_start3A_58 : memref<1280xi32, #tpu.memory_space<hbm>>) target(%arg8 : memref<1280xi32, #tpu.memory_space<vmem>>) target_semaphore(%run_scoped3A_55 : memref<!tpu.dma_semaphore, #tpu.memory_space<semaphore_mem>>)
        %dma_wait3A = tpu.memref_slice %arg3[%run_scoped3A_43, %mul3A_42] : memref<2x320000xi32, #tpu.memory_space<hbm>> -> memref<1x1280xi32, #tpu.memory_space<hbm>>
        %dma_wait3A_59 = tpu.memref_squeeze %dma_wait3A : memref<1x1280xi32, #tpu.memory_space<hbm>> -> memref<1280xi32, #tpu.memory_space<hbm>>
        %dma_wait3A_60 = tpu.memref_slice %arg3[%run_scoped3A_43, %mul3A_42] : memref<2x320000xi32, #tpu.memory_space<hbm>> -> memref<1x1280xi32, #tpu.memory_space<hbm>>
        %dma_wait3A_61 = tpu.memref_squeeze %dma_wait3A_60 : memref<1x1280xi32, #tpu.memory_space<hbm>> -> memref<1280xi32, #tpu.memory_space<hbm>>
        tpu.wait_dma2 semaphore(%run_scoped3A_55 : memref<!tpu.dma_semaphore, #tpu.memory_space<semaphore_mem>>) src(%dma_wait3A_61 : memref<1280xi32, #tpu.memory_space<hbm>>) dst(%arg8 : memref<1280xi32, #tpu.memory_space<vmem>>)
        tpu.yield
      }) : () -> ()
      %scan3A_44 = arith.constant 0 : i32
      %scan3A_45 = arith.constant 0 : i32
      %scan3A_46 = arith.constant 80 : i32
      %scan3A_47 = arith.addi %scan3A_45, %scan3A_46 : i32
      %scan3A_48 = arith.constant 1 : i32
      %scan3A_49 = scf.for %scan3A_55 = %scan3A_45 to %scan3A_47 step %scan3A_48 iter_args(%scan3A_56 = %scan3A_44) -> (i32)  : i32 {
        %mul3A_57 = arith.constant 16 : i32
        %mul3A_58 = arith.muli %scan3A_55, %mul3A_57 : i32
        %get3A = arith.index_cast %mul3A_58 : i32 to index
        %get3A_59 = tpu.vector_load %arg8[%get3A] {strides = array<i32>} : memref<1280xi32, #tpu.memory_space<vmem>>, vector<16xi32>,
        %mul3A_60 = arith.constant 16 : i32
        %mul3A_61 = arith.muli %scan3A_55, %mul3A_60 : i32
        %get3A_62 = arith.index_cast %mul3A_61 : i32 to index
        %get3A_63 = tpu.vector_load %arg7[%get3A_62] {strides = array<i32>} : memref<1280xi32, #tpu.memory_space<vmem>>, vector<16xi32>,
        %ge3A = vector.broadcast %mul3A_2 : i32 to vector<16xi32>
        %ge3A_64 = arith.cmpi sge, %get3A_59, %ge3A : vector<16xi32>
        %add3A_65 = arith.constant 320 : i32
        %add3A_66 = arith.addi %mul3A_2, %add3A_65 : i32
        %lt3A = vector.broadcast %add3A_66 : i32 to vector<16xi32>
        %lt3A_67 = arith.cmpi slt, %get3A_59, %lt3A : vector<16xi32>
        %and3A = arith.andi %ge3A_64, %lt3A_67 : vector<16xi1>
        %sub3A = vector.broadcast %mul3A_2 : i32 to vector<16xi32>
        %sub3A_68 = arith.subi %get3A_59, %sub3A : vector<16xi32>
        %convert_element_type3A = arith.extui %and3A : vector<16xi1> to vector<16xi32>
        %broadcast_in_dim3A_69 = arith.constant true
        %broadcast_in_dim3A_70 = vector.broadcast %broadcast_in_dim3A_69 : i1 to vector<16xi1>
        %masked_cumsum3A = tpu.scan <sum>, %convert_element_type3A masked %broadcast_in_dim3A_70 : vector<16xi32>, vector<16xi1> -> vector<16xi32>
        %add3A_71 = vector.broadcast %scan3A_56 : i32 to vector<16xi32>
        %add3A_72 = arith.addi %add3A_71, %masked_cumsum3A : vector<16xi32>
        %sub3A_73 = arith.constant 1 : i32
        %sub3A_74 = vector.broadcast %sub3A_73 : i32 to vector<16xi32>
        %sub3A_75 = arith.subi %add3A_72, %sub3A_74 : vector<16xi32>
        tpu.vector_store_idx %arg9[%sub3A_75], %get3A_63 masked %and3A : memref<1344xi32, #tpu.memory_space<vmem>>[vector<16xi32>], vector<16xi32>, vector<16xi1>
        tpu.vector_store_idx %arg10[%sub3A_75], %sub3A_68 masked %and3A : memref<1344xi32, #tpu.memory_space<vmem>>[vector<16xi32>], vector<16xi32>, vector<16xi1>
        tpu.vector_store_idx %arg14[%sub3A_68], %broadcast_in_dim3A_9 masked %and3A {add = true} : memref<320xi32, #tpu.memory_space<vmem>>[vector<16xi32>], vector<16xi32>, vector<16xi1>
        %slice3A = vector.extract_strided_slice %masked_cumsum3A {offsets = [15], sizes = [1], strides = [1]} : vector<16xi32> to vector<1xi32>
        %squeeze3A = vector.extract %slice3A[0] : i32 from vector<1xi32>
        %add3A_76 = arith.addi %scan3A_56, %squeeze3A : i32
        scf.yield %add3A_76 : i32
      }
      %scan3A_50 = arith.constant 80 : i32
      %add3A_51 = vector.broadcast %scan3A_49 : i32 to vector<16xi32>
      %add3A_52 = arith.addi %broadcast_in_dim3A_11, %add3A_51 : vector<16xi32>
      %swap3A = arith.constant 0 : index
      %swap3A_53 = tpu.vector_load %arg10[%swap3A] {strides = array<i32>} : memref<1344xi32, #tpu.memory_space<vmem>>, vector<16xi32>,
      tpu.vector_store %arg10[%swap3A], %add3A_52 {strides = array<i32>} : memref<1344xi32, #tpu.memory_space<vmem>>, vector<16xi32>,
      %scan3A_54 = arith.constant 0 : i32
      scf.yield %scan3A_54 : i32
    }
    %scan3A_38 = arith.constant 250 : i32
    "tpu.region"() ({
      %run_scoped3A = tpu.sem_alloc : memref<!tpu.dma_semaphore, #tpu.memory_space<semaphore_mem>>
      %dma_start3A = arith.constant 0 : i32
      %dma_start3A_39 = arith.constant 0 : i32
      %dma_start3A_40 = tpu.memref_slice %arg12[%dma_start3A, %dma_start3A_39] : memref<321x128xf32, #tpu.memory_space<vmem>> -> memref<320x128xf32, #tpu.memory_space<vmem>>
      %dma_start3A_41 = arith.constant 0 : i32
      %dma_start3A_42 = tpu.memref_slice %arg4[%mul3A_2, %dma_start3A_41] : memref<10240x128xf32, #tpu.memory_space<hbm>> -> memref<320x128xf32, #tpu.memory_space<hbm>>
      %dma_start3A_43 = arith.constant 0 : i32
      %dma_start3A_44 = tpu.memref_slice %arg4[%mul3A_2, %dma_start3A_43] : memref<10240x128xf32, #tpu.memory_space<hbm>> -> memref<320x128xf32, #tpu.memory_space<hbm>>
      %dma_start3A_45 = arith.constant 0 : i32
      %dma_start3A_46 = arith.constant 0 : i32
      %dma_start3A_47 = tpu.memref_slice %arg12[%dma_start3A_45, %dma_start3A_46] : memref<321x128xf32, #tpu.memory_space<vmem>> -> memref<320x128xf32, #tpu.memory_space<vmem>>
      tpu.enqueue_dma source(%dma_start3A_47 : memref<320x128xf32, #tpu.memory_space<vmem>>) target(%dma_start3A_44 : memref<320x128xf32, #tpu.memory_space<hbm>>) target_semaphore(%run_scoped3A : memref<!tpu.dma_semaphore, #tpu.memory_space<semaphore_mem>>)
      %dma_wait3A = arith.constant 0 : i32
      %dma_wait3A_48 = arith.constant 0 : i32
      %dma_wait3A_49 = tpu.memref_slice %arg12[%dma_wait3A, %dma_wait3A_48] : memref<321x128xf32, #tpu.memory_space<vmem>> -> memref<320x128xf32, #tpu.memory_space<vmem>>
      %dma_wait3A_50 = arith.constant 0 : i32
      %dma_wait3A_51 = tpu.memref_slice %arg4[%mul3A_2, %dma_wait3A_50] : memref<10240x128xf32, #tpu.memory_space<hbm>> -> memref<320x128xf32, #tpu.memory_space<hbm>>
      %dma_wait3A_52 = arith.constant 0 : i32
      %dma_wait3A_53 = tpu.memref_slice %arg4[%mul3A_2, %dma_wait3A_52] : memref<10240x128xf32, #tpu.memory_space<hbm>> -> memref<320x128xf32, #tpu.memory_space<hbm>>
      %dma_wait3A_54 = arith.constant 0 : i32
      %dma_wait3A_55 = arith.constant 0 : i32
      %dma_wait3A_56 = tpu.memref_slice %arg12[%dma_wait3A_54, %dma_wait3A_55] : memref<321x128xf32, #tpu.memory_space<vmem>> -> memref<320x128xf32, #tpu.memory_space<vmem>>
      tpu.wait_dma2 semaphore(%run_scoped3A : memref<!tpu.dma_semaphore, #tpu.memory_space<semaphore_mem>>) src(%dma_wait3A_56 : memref<320x128xf32, #tpu.memory_space<vmem>>) dst(%dma_wait3A_53 : memref<320x128xf32, #tpu.memory_space<hbm>>)
      tpu.yield
    }) : () -> ()
    "tpu.region"() ({
      %run_scoped3A = tpu.sem_alloc : memref<!tpu.dma_semaphore, #tpu.memory_space<semaphore_mem>>
      %dma_start3A = arith.constant 0 : i32
      %dma_start3A_39 = arith.constant 0 : i32
      %dma_start3A_40 = tpu.memref_slice %arg13[%dma_start3A, %dma_start3A_39] : memref<321x128xf32, #tpu.memory_space<vmem>> -> memref<320x128xf32, #tpu.memory_space<vmem>>
      %dma_start3A_41 = arith.constant 0 : i32
      %dma_start3A_42 = tpu.memref_slice %arg5[%mul3A_2, %dma_start3A_41] : memref<10240x128xf32, #tpu.memory_space<hbm>> -> memref<320x128xf32, #tpu.memory_space<hbm>>
      %dma_start3A_43 = arith.constant 0 : i32
      %dma_start3A_44 = tpu.memref_slice %arg5[%mul3A_2, %dma_start3A_43] : memref<10240x128xf32, #tpu.memory_space<hbm>> -> memref<320x128xf32, #tpu.memory_space<hbm>>
      %dma_start3A_45 = arith.constant 0 : i32
      %dma_start3A_46 = arith.constant 0 : i32
      %dma_start3A_47 = tpu.memref_slice %arg13[%dma_start3A_45, %dma_start3A_46] : memref<321x128xf32, #tpu.memory_space<vmem>> -> memref<320x128xf32, #tpu.memory_space<vmem>>
      tpu.enqueue_dma source(%dma_start3A_47 : memref<320x128xf32, #tpu.memory_space<vmem>>) target(%dma_start3A_44 : memref<320x128xf32, #tpu.memory_space<hbm>>) target_semaphore(%run_scoped3A : memref<!tpu.dma_semaphore, #tpu.memory_space<semaphore_mem>>)
      %dma_wait3A = arith.constant 0 : i32
      %dma_wait3A_48 = arith.constant 0 : i32
      %dma_wait3A_49 = tpu.memref_slice %arg13[%dma_wait3A, %dma_wait3A_48] : memref<321x128xf32, #tpu.memory_space<vmem>> -> memref<320x128xf32, #tpu.memory_space<vmem>>
      %dma_wait3A_50 = arith.constant 0 : i32
      %dma_wait3A_51 = tpu.memref_slice %arg5[%mul3A_2, %dma_wait3A_50] : memref<10240x128xf32, #tpu.memory_space<hbm>> -> memref<320x128xf32, #tpu.memory_space<hbm>>
      %dma_wait3A_52 = arith.constant 0 : i32
      %dma_wait3A_53 = tpu.memref_slice %arg5[%mul3A_2, %dma_wait3A_52] : memref<10240x128xf32, #tpu.memory_space<hbm>> -> memref<320x128xf32, #tpu.memory_space<hbm>>
      %dma_wait3A_54 = arith.constant 0 : i32
      %dma_wait3A_55 = arith.constant 0 : i32
      %dma_wait3A_56 = tpu.memref_slice %arg13[%dma_wait3A_54, %dma_wait3A_55] : memref<321x128xf32, #tpu.memory_space<vmem>> -> memref<320x128xf32, #tpu.memory_space<vmem>>
      tpu.wait_dma2 semaphore(%run_scoped3A : memref<!tpu.dma_semaphore, #tpu.memory_space<semaphore_mem>>) src(%dma_wait3A_56 : memref<320x128xf32, #tpu.memory_space<vmem>>) dst(%dma_wait3A_53 : memref<320x128xf32, #tpu.memory_space<hbm>>)
      tpu.yield
    }) : () -> ()
    "tpu.region"() ({
      %run_scoped3A = tpu.sem_alloc : memref<!tpu.dma_semaphore, #tpu.memory_space<semaphore_mem>>
      %dma_start3A = arith.constant 0 : i32
      %dma_start3A_39 = tpu.memref_slice %arg6[%add3A, %dma_start3A] : memref<32x320xi32, #tpu.memory_space<hbm>> -> memref<1x320xi32, #tpu.memory_space<hbm>>
      %dma_start3A_40 = tpu.memref_squeeze %dma_start3A_39 : memref<1x320xi32, #tpu.memory_space<hbm>> -> memref<320xi32, #tpu.memory_space<hbm>>
      %dma_start3A_41 = arith.constant 0 : i32
      %dma_start3A_42 = tpu.memref_slice %arg6[%add3A, %dma_start3A_41] : memref<32x320xi32, #tpu.memory_space<hbm>> -> memref<1x320xi32, #tpu.memory_space<hbm>>
      %dma_start3A_43 = tpu.memref_squeeze %dma_start3A_42 : memref<1x320xi32, #tpu.memory_space<hbm>> -> memref<320xi32, #tpu.memory_space<hbm>>
      tpu.enqueue_dma source(%arg14 : memref<320xi32, #tpu.memory_space<vmem>>) target(%dma_start3A_43 : memref<320xi32, #tpu.memory_space<hbm>>) target_semaphore(%run_scoped3A : memref<!tpu.dma_semaphore, #tpu.memory_space<semaphore_mem>>)
      %dma_wait3A = arith.constant 0 : i32
      %dma_wait3A_44 = tpu.memref_slice %arg6[%add3A, %dma_wait3A] : memref<32x320xi32, #tpu.memory_space<hbm>> -> memref<1x320xi32, #tpu.memory_space<hbm>>
      %dma_wait3A_45 = tpu.memref_squeeze %dma_wait3A_44 : memref<1x320xi32, #tpu.memory_space<hbm>> -> memref<320xi32, #tpu.memory_space<hbm>>
      %dma_wait3A_46 = arith.constant 0 : i32
      %dma_wait3A_47 = tpu.memref_slice %arg6[%add3A, %dma_wait3A_46] : memref<32x320xi32, #tpu.memory_space<hbm>> -> memref<1x320xi32, #tpu.memory_space<hbm>>
      %dma_wait3A_48 = tpu.memref_squeeze %dma_wait3A_47 : memref<1x320xi32, #tpu.memory_space<hbm>> -> memref<320xi32, #tpu.memory_space<hbm>>
      tpu.wait_dma2 semaphore(%run_scoped3A : memref<!tpu.dma_semaphore, #tpu.memory_space<semaphore_mem>>) src(%arg14 : memref<320xi32, #tpu.memory_space<vmem>>) dst(%dma_wait3A_48 : memref<320xi32, #tpu.memory_space<hbm>>)
      tpu.yield
    }) : () -> ()
    return
  }
}

</mosaic_0001>

<sc_bundles>
// kernel: _sc_aggregate.3.cloned.1.call-start
scs
__scs_entry_jumppad:
0x0: {  	(pc) =	sbr.rel $0x88, $3  }
0x1: {  	(tag) =	ssettag $0x0;
	lr =	simm.s32 $0x1  }
0x2: {  	[smem:$0x3F9F] =	sst lr;
	_ =	strace $0xD0000000  }
0x3: {  	_ = 	snop  }
0x4: {  	_ = 	snop  }
0x5: {  	_ = 	snop  }
0x6: {  	_ = 	snop  }
0x7: {  	_ = 	snop  }
__scs_overlays_trampoline_lowered:
0x8: {  	[smem:$0x3FAE] =	sst s0  }
0x9: {  	[smem:$0x3FAF] =	sst s1  }
0xa: {  	[smem:$0x3FB0] =	sst s2  }
0xb: {  	[smem:$0x3FB1] =	sst s3  }
0xc: {  	[smem:$0x3FB2] =	sst s4  }
0xd: {  	[smem:$0x3FB3] =	sst s5  }
0xe: {  	[smem:$0x3FB4] =	sst s6  }
0xf: {  	[smem:$0x3FB5] =	sst s7  }
0x10: {  	[smem:$0x3FB6] =	sst s8  }
0x11: {  	[smem:$0x3FB7] =	sst s9;
	s0 =	simm.s32 @!p0 $0x0  }
0x12: {  	s1 =	sld [smem:$0x3F9D];
	s0 =	simm.s32 @p0 $0x1  }
0x13: {  	[smem:$0x3FB8] =	sst s0;
	s0 =	simm.s32 @!p1 $0x0  }
0x14: {  	s2 =	sld [smem:$0x3F9C];
	s0 =	simm.s32 @p1 $0x1  }
0x15: {  	[smem:$0x3FB9] =	sst s0;
	s0 =	simm.s32 @!p2 $0x0  }
0x16: {  	s3 =	sld [smem:$0x3FDB];
	s0 =	simm.s32 @p2 $0x1  }
0x17: {  	s4 =	simm.s32 $0x1BF5;
	[smem:$0x3FBB] =	sst s0  }
0x18: {  	s0 =	sld [smem:$0x3F9E];
	_ =	swait.ge [sflag:s4], $0x0  }
0x19: {  	s7 =	sld [smem:$0x3F9F]  }
0x1a: {  	s8 =	sadd.s32 $0xFFFFE003, lr  }
0x1b: {  	s9 =	sadd.s32 $0xFFFFFEF7, lr;
	s5 =	simm.s32 $0xFFFFFFFF;
	p2 =	slt.u32 s8, $0xFFFFF086  }
0x1c: {  	p1 =	slt.u32 s9, $0xF7A;
	s5 =	simm.s32 @!p2 $0x0  }
0x1d: {  	s5 =	simm.s32 @p1 $0x1;
	p0 =	seq.s32 s7, s2  }
0x1e: {  	s7 =	smul.u32 @!p0 $0xF7A, s2;
	p2 =	seq.s32 @!p0 s5, $0x0  }
0x1f: {  	s9 =	smul.u32 $0xF7A, s1;
	s8 =	simm.s32 @!p0 $0x1BF5;
	p2 =	por !p2, p0  }
0x20: {  	[sflag:s8] =	ssyncset.s32 @!p0 $0xFFFFF086;
	s6 =	sadd.s32 @!p0 s3, s7;
	s7 =	simm.s32 @!p0 $0x108  }
0x21: {  	s3 =	sadd.s32 s3, s9;
	s6 =	sadd.s32 @!p0 $0x88, s6;
	s7 =	simm.s32 @p2 $0x1082  }
0x22: {  	[simem:s7], [sflag:s8] =	dma.local @!p0 [hbm:s6], $0xF7A  }
0x23: {  	s9 =	sor.u32 $0xD0000000, s2;
	s6 =	simm.s32 $0x108;
	_ =	swait.ge @!p0 [sflag:s8], $0x0  }
0x24: {  	s3 =	sadd.s32 $0x88, s3;
	s6 =	simm.s32 @!p1 $0x1082;
	[sflag:s4] =	ssyncset.s32 $0xFFFFF086  }
0x25: {  	[simem:s6], [sflag:s4] =	dma.local [hbm:s3], $0xF7A  }
0x26: {  	[smem:$0x3F9F] =	sst s1;
	(tag) =	ssettag s2;
	_ =	strace s9  }
0x27: {  	s1 =	sld [smem:$0x3FAF]  }
0x28: {  	s2 =	sld [smem:$0x3FB0]  }
0x29: {  	s4 =	sld [smem:$0x3FB2]  }
0x2a: {  	p0 =	seq.s32 s5, $0x0;
	s5 =	sld [smem:$0x3FB3]  }
0x2b: {  	s6 =	sld [smem:$0x3FB4]  }
0x2c: {  	s7 =	sld [smem:$0x3FB5]  }
0x2d: {  	s3 =	simm.s32 $0x108;
	s8 =	sld [smem:$0x3FB6]  }
0x2e: {  	s3 =	simm.s32 @!p0 $0x1082;
	s9 =	sld [smem:$0x3FB7]  }
0x2f: {  	lr =	sadd.s32 s0, s3;
	s0 =	sld [smem:$0x3FAE]  }
0x30: {  	s3 =	sld [smem:$0x3FB1]  }
0x31: {  	[smem:$0x3FBA] =	sst s10  }
0x32: {  	s10 =	sld [smem:$0x3FB8];
	_ =	sdelay $0x3  }
0x33: {  	p0 =	seq.s32 s10, $0x1;
	s10 =	sld [smem:$0x3FBA];
	_ =	sdelay $0x3  }
0x34: {  	[smem:$0x3FBA] =	sst s10  }
0x35: {  	s10 =	sld [smem:$0x3FB9];
	_ =	sdelay $0x3  }
0x36: {  	p1 =	seq.s32 s10, $0x1;
	s10 =	sld [smem:$0x3FBA];
	_ =	sdelay $0x3  }
0x37: {  	[smem:$0x3FBA] =	sst s10  }
0x38: {  	s10 =	sld [smem:$0x3FBB]  }
0x39: {  	_ = 	snop;
	(pc) =	sbr.ind lr, $3  }
0x3a: {  	_ = 	snop  }
0x3b: {  	_ = 	snop  }
0x3c: {  	p2 =	seq.s32 s10, $0x1;
	s10 =	sld [smem:$0x3FBA]  }
0x3d: {  	_ =	shalt  }
0x3e: {  	_ =	shalt  }
0x3f: {  	_ =	shalt  }
0x40: {  	_ =	shalt  }
0x41: {  	_ =	shalt  }
0x42: {  	_ =	shalt  }
0x43: {  	_ =	shalt  }
0x44: {  	_ =	shalt  }
0x45: {  	_ =	shalt  }
0x46: {  	_ =	shalt  }
0x47: {  	_ =	shalt  }
0x48: {  	_ =	shalt  }
0x49: {  	_ =	shalt  }
0x4a: {  	_ =	shalt  }
0x4b: {  	_ =	shalt  }
0x4c: {  	_ =	shalt  }
0x4d: {  	_ =	shalt  }
0x4e: {  	_ =	shalt  }
0x4f: {  	_ =	shalt  }
0x50: {  	_ =	shalt  }
0x51: {  	_ =	shalt  }
0x52: {  	_ =	shalt  }
0x53: {  	_ =	shalt  }
0x54: {  	_ =	shalt  }
0x55: {  	_ =	shalt  }
0x56: {  	_ =	shalt  }
0x57: {  	_ =	shalt  }
0x58: {  	_ =	shalt  }
0x59: {  	_ =	shalt  }
0x5a: {  	_ =	shalt  }
0x5b: {  	_ =	shalt  }
0x5c: {  	_ =	shalt  }
0x5d: {  	_ =	shalt  }
0x5e: {  	_ =	shalt  }
0x5f: {  	_ =	shalt  }
0x60: {  	_ =	shalt  }
0x61: {  	_ =	shalt  }
0x62: {  	_ =	shalt  }
0x63: {  	_ =	shalt  }
0x64: {  	_ =	shalt  }
0x65: {  	_ =	shalt  }
0x66: {  	_ =	shalt  }
0x67: {  	_ =	shalt  }
0x68: {  	_ =	shalt  }
0x69: {  	_ =	shalt  }
0x6a: {  	_ =	shalt  }
0x6b: {  	_ =	shalt  }
0x6c: {  	_ =	shalt  }
0x6d: {  	_ =	shalt  }
0x6e: {  	_ =	shalt  }
0x6f: {  	_ =	shalt  }
0x70: {  	_ =	shalt  }
0x71: {  	_ =	shalt  }
0x72: {  	_ =	shalt  }
0x73: {  	_ =	shalt  }
0x74: {  	_ =	shalt  }
0x75: {  	_ =	shalt  }
0x76: {  	_ =	shalt  }
0x77: {  	_ =	shalt  }
0x78: {  	_ =	shalt  }
0x79: {  	_ =	shalt  }
0x7a: {  	_ =	shalt  }
0x7b: {  	_ =	shalt  }
0x7c: {  	_ =	shalt  }
0x7d: {  	_ =	shalt  }
0x7e: {  	_ =	shalt  }
0x7f: {  	_ =	shalt  }
0x80: {  	_ =	shalt  }
0x81: {  	_ =	shalt  }
0x82: {  	_ =	shalt  }
0x83: {  	_ =	shalt  }
0x84: {  	_ =	shalt  }
0x85: {  	_ =	shalt  }
0x86: {  	_ =	shalt  }
0x87: {  	_ =	shalt  }
.Lfunc_end0:
.L_simem_size_0:
called_computation_lowered:
.L_overlay_start_0:
0x88: {  	s2 =	sld [smem:$0x3FD9]  }
0x89: {  	s3 =	sld [smem:$0x3FFE];
	_ =	sdelay $0x1  }
0x8a: {  	s1 =	srdreg.scid  }
0x8b: {  	s0 =	sand.u32 $0x1, s1  }
0x8c: {  	s15 =	sshll.u32 s0, $0xA;
	s2 =	sadd.s32 s3, s2  }
0x8d: {  	s2 =	sadd.s32 s2, s15  }
0x8e: {  	[smem:$0x3FC6] =	sst s2  }
0x8f: {  	_ = 	snop  }
0x90: {  	s2 =	sld [smem:$0x3FD0];
	_ =	sdelay $0x2  }
0x91: {  	s4 =	simm.s32 $0xA;
	s5 =	simm.s32 $0x10;
	s16 =	sld [smem:$0x3FC8]  }
0x92: {  	[smem:s5], [sflag:s4] =	dma.local [hbm:s2], $0x1  }
0x93: {  	_ =	swait.eq [sflag:s4], $0x1  }
0x94: {  	s17 =	sld [smem:$0x10];
	[sflag:s4] =	ssyncset.done $0x0  }
0x95: {  	s18 =	sld [smem:$0x11];
	[sflag:s4] =	ssyncadd.s32 $0xFFFFFFFF  }
0x96: {  	s19 =	sld [smem:$0x12];
	(tm) =	ssettm $0x1  }
0x97: {  	s6 =	sld [smem:$0x3FFB];
	_ =	sdelay $0x3  }
0x98: {  	_ =	strace s6  }
0x99: {  	s6 =	sld [smem:$0x3FFC];
	_ =	sdelay $0x3  }
0x9a: {  	_ =	strace s6  }
0x9b: {  	s6 =	sld [smem:$0x3FFD];
	_ =	sdelay $0x3  }
0x9c: {  	_ =	strace s6  }
0x9d: {  	_ =	strace $0x8FFFFFFF  }
0x9e: {  	s20 =	sld [smem:$0x3FDB];
	_ =	sdelay $0x1  }
0x9f: {  	s7 =	simm.s32 $_scs_section_size  }
0xa0: {  	s8 =	simm.s32 $_size__tile_overlayer_lowered;
	s9 =	simm.s32 $_tile_overlayer_lowered  }
0xa1: {  	s23 =	simm.s32 $0x1BFF;
	s22 =	sshll.u32 s9, $0x1;
	s6 =	sadd.s32 s7, s20  }
0xa2: {  	s10 =	simm.s32 $0x0;
	s21 =	sshll.u32 s8, $0x1;
	s8 =	sadd.s32 s22, s6  }
0xa3: {  	[timem:s10], [sflag:s23] =	dma.local [hbm:s8], s21  }
0xa4: {  	_ =	swait.ge [sflag:s23], s21  }
0xa5: {  	s7 =	ssub.s32 $0x0, s21;
	[sflag:s23] =	ssyncset.done $0x0  }
0xa6: {  	[sflag:s23] =	ssyncadd.s32 s7;
	_ =	sdelay $0x1  }
0xa7: {  	s24 =	simm.s32 $0x1B8B  }
0xa8: {  	_ =	swait.ge [sflag:s24], $0x1  }
0xa9: {  	[sflag:s24] =	ssyncset.done $0x0  }
0xaa: {  	s25 =	simm.s32 $0x1B8E;
	[sflag:s24] =	ssyncadd.s32 $0xFFFFFFFF  }
0xab: {  	s26 =	simm.s32 $execute0_lowered;
	[smem:$0x3FD2] =	sst s25  }
0xac: {  	s7 =	sshll.u32 s26, $0x1;
	_ =	strace $0x80000046;
	[dreg:$0x1] =	wrdreg $0xFFFFFFFF  }
0xad: {  	s28 =	simm.s32 $_size_execute0_lowered;
	s6 =	sadd.s32 s6, s7;
	[dreg:$0x0] =	wrdreg $0x0  }
0xae: {  	s7 =	sshll.u32 s28, $0x1;
	[dreg:$0x2] =	wrdreg s6  }
0xaf: {  	[dreg:$0x3] =	wrdreg s7  }
0xb0: {  	[dreg:$0x4] =	wrdreg $0xC0  }
0xb1: {  	_ =	task [dreg:s10], $0x5FFFF  }
0xb2: {  	[dreg:$0x1] =	wrdreg $0xFFFFFFFF  }
0xb3: {  	[dreg:$0x0] =	wrdreg $0x60  }
0xb4: {  	[dreg:$0x2] =	wrdreg s16  }
0xb5: {  	[dreg:$0x3] =	wrdreg s17  }
0xb6: {  	[dreg:$0x4] =	wrdreg s18  }
0xb7: {  	[dreg:$0x5] =	wrdreg s19  }
0xb8: {  	[dreg:$0x6] =	wrdreg $0x9  }
0xb9: {  	_ =	task.clear_ibuf [dreg:s10], $0x7FFFF;
	_ =	strace $0x90000046  }
0xba: {  	s29 =	simm.s32 $0x9;
	_ =	strace $0x80000048  }
0xbb: {  	_ =	swait.ge [sflag:s29], $0x1  }
0xbc: {  	[sflag:s29] =	ssyncadd.s32 $0xFFFFFFFF  }
0xbd: {  	_ =	strace $0x90000048  }
0xbe: {  	_ =	sfence  }
0xbf: {  	s30 =	sld [smem:$0x0];
	_ =	sdelay $0x2  }
0xc0: {  	s31 =	sshll.u32 s1, $0xD;
	s1 =	sshrl.u32 s1, $0x2  }
0xc1: {  	s3 =	sand.u32 $0x4000, s31;
	s1 =	sadd.s32 s1, s30  }
0xc2: {  	s0 =	sor.u32 s3, s0;
	s1 =	sshll.u32 s1, $0x11  }
0xc3: {  	s0 =	sor.u32 s1, s0  }
0xc4: {  	s0 =	sadd.s32 $0x8F2B, s0  }
0xc5: {  	[sflag:s0] =	ssyncadd.remote.s32 $0x1  }
0xc6: {  	_ =	sfence.sel $0xFFFF  }
0xc7: {  	[dreg:$0x0] =	wrdreg $0xFFFFFFFF;
	(pc) =	sbr.abs _section_cstart, $3  }
0xc8: {  	[dreg:$0x1] =	wrdreg $0xFFFFFFFF  }
0xc9: {  	_ =	task.clear_ibuf [dreg:s10], $0x2FFFF;
	_ =	strace $0x9FFFFFFF  }
0xca: {  	(tm) =	ssettm $0x7FFFFFFF  }
0xcb: {  	_ =	shalt  }
tec
execute0_lowered:
.L_overlay_start_1:
0x0: {  	(tag) =	ssettag $0x1  }
0x1: {  	s1 =	rddreg [dreg:$0x0]  }
0x2: {  	s5 =	rddreg [dreg:$0x1]  }
0x3: {  	s6 =	rddreg [dreg:$0x2]  }
0x4: {  	s7 =	rddreg [dreg:$0x3]  }
0x5: {  	s0 =	rddreg [dreg:$0x4]  }
0x6: {  	s3 =	simm.s32 $0x0;
	s4 =	srdreg.scid;
	s2 =	stileid.u32  }
0x7: {  	s12 =	simm.s32 $0x500;
	s13 =	simm.s32 $0xA00;
	s16 =	simm.s32 $0x1500  }
0x8: {  	s17 =	simm.s32 $0xB900;
	s18 =	simm.s32 $0x400;
	s19 =	simm.s32 $0x0  }
0x9: {  	s4 =	sand.u32 $0x1, s4;
	s8 =	sshll.u32 s2, $0x1;
	s9 =	sshrl.u32 s2, $0x2  }
0xa: {  	[smem:$0x7FF] =	sst s3;
	s8 =	sor.u32 s4, s8;
	s9 =	smul.u32 $0xC00, s9  }
0xb: {  	_ =	strace $0x80000047;
	s4 =	ssub.s32 $0x2, s4;
	s14 =	smul.u32 $0x140, s8  }
0xc: {  	s10 =	sshll.u32 s8, $0x7;
	s11 =	sshrl.u32 s4, $0x1;
	s8 =	smul.u32 $0x1400, s8  }
0xd: {  	s10 =	sand.u32 $0x380, s10;
	s11 =	ssub.s32 s4, s11;
	s4 =	sadd.s32 $0x10, s1  }
0xe: {  	s9 =	sor.u32 s9, s10;
	s15 =	sadd.s32 $0x140, s14;
	s5 =	sadd.s32 s5, s8  }
0xf: {  	s6 =	sadd.s32 s6, s8;
	s8 =	smax.u32 s11, $0x1;
	s10 =	simm.s32 $0x100  }
0x10: {  	v2 =	vimm.f32 $0.0e+00;
	v3 =	vimm.f32 $-Inf;
	s11 =	simm.s32 $0x1;
	v0 =	vmov s14;
	s14 =	simm.s32 $0xF80;
	s9 =	sshrl.u32 s9, $0x3  }
0x11: {  	v4 =	vimm.s32 $0x0;
	v5 =	vimm.s32 $0x1;
	v1 =	vmov s15;
	s15 =	simm.s32 $0x15D00;
	s7 =	sadd.s32 s7, s9;
	s9 =	simm.s32 $0x80  }
.LBB2_1:
0x12: {  	s20 =	simm.s32 $0x0;
	s21 =	simm.s32 $0x200  }
.LBB2_2:
0x13: {  	p0 =	sne.s32 s21, $0x28000;
	[tilespmem:s20+$0xB970] =	vst v3  }
0x14: {  	[tilespmem:s20+$0x1500] =	vst v2  }
0x15: {  	[tilespmem:s20+$0xB900] =	vst v3  }
0x16: {  	[tilespmem:s20+$0x1510] =	vst v2  }
0x17: {  	[tilespmem:s20+$0xB910] =	vst v3  }
0x18: {  	[tilespmem:s20+$0x1520] =	vst v2  }
0x19: {  	[tilespmem:s20+$0xB920] =	vst v3  }
0x1a: {  	[tilespmem:s20+$0x1530] =	vst v2  }
0x1b: {  	[tilespmem:s20+$0xB930] =	vst v3  }
0x1c: {  	[tilespmem:s20+$0x1540] =	vst v2  }
0x1d: {  	[tilespmem:s20+$0xB940] =	vst v3  }
.Ltmp0:
0x1e: {  	[tilespmem:s20+$0x1550] =	vst v2;
	(pc) =	sbr.rel @p0 .LBB2_2-.Ltmp0, $4  }
0x1f: {  	[tilespmem:s20+$0xB950] =	vst v3  }
0x20: {  	[tilespmem:s20+$0x1560] =	vst v2  }
0x21: {  	[tilespmem:s20+$0xB960] =	vst v3  }
0x22: {  	[tilespmem:s20+$0x1570] =	vst v2;
	s20 =	sshra.s32 s21, $0x2;
	s21 =	sadd.s32 $0x200, s21  }
0x23: {  	[tilespmem:s20+$0xB970] =	vst v3  }
0x24: {  	[tilespmem:s20+$0x1500] =	vst v2  }
0x25: {  	[tilespmem:s20+$0xB900] =	vst v3  }
0x26: {  	[tilespmem:s20+$0x1510] =	vst v2  }
0x27: {  	[tilespmem:s20+$0xB910] =	vst v3  }
0x28: {  	[tilespmem:s20+$0x1520] =	vst v2  }
0x29: {  	[tilespmem:s20+$0xB920] =	vst v3  }
0x2a: {  	[tilespmem:s20+$0x1530] =	vst v2  }
0x2b: {  	[tilespmem:s20+$0xB930] =	vst v3  }
0x2c: {  	[tilespmem:s20+$0x1540] =	vst v2  }
0x2d: {  	[tilespmem:s20+$0xB940] =	vst v3  }
0x2e: {  	[tilespmem:s20+$0x1550] =	vst v2  }
0x2f: {  	[tilespmem:s20+$0xB950] =	vst v3  }
0x30: {  	[tilespmem:s20+$0x1560] =	vst v2  }
0x31: {  	[tilespmem:s20+$0xB960] =	vst v3  }
0x32: {  	[tilespmem:s20+$0x1570] =	vst v2  }
0x33: {  	[tilespmem:$0x15D00] =	vst v4  }
0x34: {  	[tilespmem:$0x15D10] =	vst v4  }
0x35: {  	[tilespmem:$0x15D20] =	vst v4  }
0x36: {  	[tilespmem:$0x15D30] =	vst v4  }
0x37: {  	[tilespmem:$0x15D40] =	vst v4  }
0x38: {  	[tilespmem:$0x15D50] =	vst v4  }
0x39: {  	[tilespmem:$0x15D60] =	vst v4  }
0x3a: {  	[tilespmem:$0x15D70] =	vst v4  }
0x3b: {  	[tilespmem:$0x15D80] =	vst v4  }
0x3c: {  	[tilespmem:$0x15D90] =	vst v4  }
0x3d: {  	[tilespmem:$0x15DA0] =	vst v4  }
0x3e: {  	[tilespmem:$0x15DB0] =	vst v4  }
0x3f: {  	[tilespmem:$0x15DC0] =	vst v4  }
0x40: {  	[tilespmem:$0x15DD0] =	vst v4  }
0x41: {  	[tilespmem:$0x15DE0] =	vst v4  }
0x42: {  	[tilespmem:$0x15DF0] =	vst v4  }
0x43: {  	[tilespmem:$0x15E00] =	vst v4  }
0x44: {  	[tilespmem:$0x15E10] =	vst v4  }
0x45: {  	[tilespmem:$0x15E20] =	vst v4  }
0x46: {  	s20 =	simm.s32 $0x0;
	s21 =	simm.s32 $0x40;
	s22 =	simm.s32 $0x0;
	[tilespmem:$0x15E30] =	vst v4  }
.LBB2_4:
0x47: {  	p0 =	sne.s32 s21, $0x14C0;
	[tilespmem:s22+$0xA00] =	vst v4;
	s22 =	smov.u32 s21;
	s21 =	sadd.s32 $0x40, s21  }
.Ltmp1:
0x48: {  	(pc) =	sbr.rel @p0 .LBB2_4-.Ltmp1, $2  }
0x49: {  	_ =	sdelay $0x2  }
0x4a: {  	s22 =	sshra.s32 s22, $0x2  }
0x4b: {  	[tilespmem:s22+$0xA00] =	vst v4  }
.LBB2_6:
0x4c: {  	s22 =	smul.u32 $0x140, s20;
	_ =	sdelay $0x1  }
0x4d: {  	s21 =	simm.s32 $0x0;
	s23 =	sadd.s32 s1, s22  }
0x4e: {  	[tilespmem:s21], [sflag:$0x1] =	stream.strided.gather [hbm4b:s23+s9], $0x500, s10, s9, $0x38;
	[tilespmem:$0x15E80] =	vst v63  }
0x4f: {  	_ =	swait.ge [sflag:s11], $0x500  }
0x50: {  	[sflag:s11] =	ssyncset.done $0x0  }
0x51: {  	s22 =	sadd.s32 s22, s4;
	[sflag:s11] =	ssyncadd.s32 $0xFFFFFB00  }
0x52: {  	[tilespmem:s12], [sflag:$0x1] =	stream.strided.gather [hbm4b:s22+s9], $0x500, s10, s9, $0x38;
	[tilespmem:$0x15E80] =	vst v63  }
0x53: {  	_ =	swait.ge [sflag:s11], $0x500  }
0x54: {  	[sflag:s11] =	ssyncset.done $0x0  }
0x55: {  	s31 =	simm.s32 $0x0;
	[sflag:s11] =	ssyncadd.s32 $0xFFFFFB00  }
0x56: {  	v6 =	vld [tilespmem:s31+$0x500];
	_ =	sdelay $0x4  }
0x57: {  	vm0 =	vge.s32 v6, v0;
	vm1 =	vlt.s32 v6, v1  }
0x58: {  	vm0 =	vmand vm0, vm1  }
0x59: {  	v7 =	vsel vm0, $0x1, v4  }
0x5a: {  	(xrf0) =	vadd.scan.msk.s32 $0xffff, v7;
	_ =	sdelay $0x2  }
0x5b: {  	v7 =	vmov s21  }
0x5c: {  	v7 =	vadd.s32 $0xFFFFFFFF, v7  }
0x5d: {  	v7 =	vbroadcast v7, $0x0  }
0x5e: {  	v8, _, _ =	vpop (xrf0)  }
0x5f: {  	v9 =	vld [tilespmem:s31+$0x0];
	v7 =	vadd.s32 v8, v7;
	(v2sf) =	vpush v8, $0xF;
	_ =	sdelay $0x1  }
0x60: {  	v6 =	vsub.s32 v6, v0;
	_ =	sdelay $0x2  }
0x61: {  	[tilespmem:v7+s13+$0x0] =	vst.idx.msk vm0, v9  }
0x62: {  	[tilespmem:v7+s14+$0x0] =	vst.idx.msk vm0, v6  }
0x63: {  	s23 =	simm.s32 $0x10;
	s22 =	simm.s32 $0x80;
	[tilespmem:v6+s15+$0x0] =	vst.idx.add.s32.msk vm0, v5  }
.LBB2_7:
0x64: {  	p0 =	sne.s32 s22, $0x13C0;
	v6 =	vld [tilespmem:s23+$0x500]  }
0x65: {  	v7 =	vld [tilespmem:s23+$0x0];
	_ =	sdelay $0x3  }
0x66: {  	vm0 =	vge.s32 v6, v0;
	vm1 =	vlt.s32 v6, v1;
	v6 =	vsub.s32 v6, v0  }
0x67: {  	vm0 =	vmand vm0, vm1  }
0x68: {  	v8 =	vsel vm0, $0x1, v4;
	s23 =	spop (v2sf)  }
0x69: {  	(xrf0) =	vadd.scan.msk.s32 $0xffff, v8;
	s21 =	sadd.s32 s21, s23  }
0x6a: {  	v8 =	vmov s21  }
0x6b: {  	v8 =	vadd.s32 $0xFFFFFFFF, v8  }
0x6c: {  	v8 =	vbroadcast v8, $0x0;
	_ =	sdelay $0x2  }
0x6d: {  	v9, _, _ =	vpop (xrf0)  }
0x6e: {  	v8 =	vadd.s32 v9, v8;
	(v2sf) =	vpush v9, $0xF;
	_ =	sdelay $0x2  }
.Ltmp2:
0x6f: {  	(pc) =	sbr.rel @p0 .LBB2_7-.Ltmp2, $4  }
0x70: {  	_ = 	snop  }
0x71: {  	[tilespmem:v8+s13+$0x0] =	vst.idx.msk vm0, v7  }
0x72: {  	[tilespmem:v8+s14+$0x0] =	vst.idx.msk vm0, v6  }
0x73: {  	s23 =	sshra.s32 s22, $0x2;
	s22 =	sadd.s32 $0x40, s22;
	[tilespmem:v6+s15+$0x0] =	vst.idx.add.s32.msk vm0, v5  }
0x74: {  	v6 =	vld [tilespmem:s23+$0x500];
	_ =	sdelay $0x4  }
0x75: {  	vm0 =	vge.s32 v6, v0;
	vm1 =	vlt.s32 v6, v1  }
0x76: {  	vm0 =	vmand vm0, vm1  }
0x77: {  	v7 =	vsel vm0, $0x1, v4  }
0x78: {  	(xrf0) =	vadd.scan.msk.s32 $0xffff, v7;
	_ =	sdelay $0x5  }
0x79: {  	v7, _, _ =	vpop (xrf0)  }
0x7a: {  	(v2sf) =	vpush v7, $0xF;
	_ =	sdelay $0x6  }
0x7b: {  	s22 =	spop (v2sf)  }
0x7c: {  	s21 =	sadd.s32 s21, s22  }
0x7d: {  	v8 =	vmov s21  }
0x7e: {  	v8 =	vadd.s32 $0xFFFFFFFF, v8  }
0x7f: {  	v8 =	vbroadcast v8, $0x0;
	_ =	sdelay $0x1  }
0x80: {  	v9 =	vld [tilespmem:s23+$0x0];
	v7 =	vadd.s32 v7, v8;
	_ =	sdelay $0x1  }
0x81: {  	s20 =	sadd.s32 $0x1, s20;
	v6 =	vsub.s32 v6, v0;
	s31 =	spop (v2sf)  }
0x82: {  	p0 =	sne.s32 s20, $0xFA;
	s21 =	sadd.s32 s21, s31  }
.Ltmp3:
0x83: {  	v63 =	vmov s21;
	(pc) =	sbr.rel @p0 .LBB2_6-.Ltmp3, $4  }
0x84: {  	[tilespmem:v7+s13+$0x0] =	vst.idx.msk vm0, v9;
	v8 =	vadd.s32 $0x140, v63  }
0x85: {  	[tilespmem:v7+s14+$0x0] =	vst.idx.msk vm0, v6;
	v7 =	vbroadcast v8, $0x0  }
0x86: {  	[tilespmem:v6+s15+$0x0] =	vst.idx.add.s32.msk vm0, v5  }
0x87: {  	[tilespmem:$0xF80] =	vst v7  }
0x88: {  	[hbm4b:s5+s3] =	stream.linear.scatter [tilespmem:s16], [sflag:$0x1], $0xA000, $0x38;
	[tilespmem:$0x15E80] =	vst v63  }
0x89: {  	_ =	swait.ge [sflag:s11], $0xA000  }
0x8a: {  	[sflag:s11] =	ssyncset.done $0x0  }
0x8b: {  	[sflag:s11] =	ssyncadd.s32 $0xFFFF6000  }
0x8c: {  	[hbm4b:s6+s3] =	stream.linear.scatter [tilespmem:s17], [sflag:$0x1], $0xA000, $0x38;
	[tilespmem:$0x15E80] =	vst v63  }
0x8d: {  	s19 =	sadd.s32 $0x1, s19;
	_ =	swait.ge [sflag:s11], $0xA000  }
0x8e: {  	p0 =	sne.s32 s19, s8;
	[sflag:s11] =	ssyncset.done $0x0  }
.Ltmp4:
0x8f: {  	[sflag:s11] =	ssyncadd.s32 $0xFFFF6000;
	(pc) =	sbr.rel @p0 .LBB2_1-.Ltmp4, $4  }
0x90: {  	[hbm4b:s7+s9] =	stream.strided.scatter [tilespmem:s15], [sflag:$0x1], $0x180, s18, s9, $0x38;
	[tilespmem:$0x15E80] =	vst v63  }
0x91: {  	_ =	swait.ge [sflag:s11], $0x180  }
0x92: {  	[sflag:s11] =	ssyncset.done $0x0  }
0x93: {  	[sflag:s11] =	ssyncadd.s32 $0xFFFFFE80  }
0x94: {  	_ =	sfence.sel $0x180000  }
0x95: {  	[bflag:$0x0] =	sbarrier.arrive $0xFFFF  }
0x96: {  	p0 =	sne.s32 s2, $0x0;
	_ =	strace $0x90000047  }
0x97: {  	s0 =	sadd.s32 @!p0 $0x100000, s0;
	[bflag:$0x2] =	sbarrier.arrive $0xFFFF  }
0x98: {  	[sflag:s0] =	ssyncadd.tile.s32 @!p0 $0x1;
	_ =	shalt  }
.Lfunc_end2:
_tile_overlayer_lowered:
.L_overlay_start_2:
0x99: {  	(tag) =	ssettag $0x2  }
0x9a: {  	s0 =	rddreg [dreg:$0x0];
	s2 =	stileid.u32  }
0x9b: {  	s1 =	rddreg [dreg:$0x1];
	p0 =	sne.s32 s2, $0x0  }
0x9c: {  	s3 =	rddreg [dreg:$0x2];
	[bflag:$0x3] =	sbarrier.arrive $0xFFFF;
	s2 =	simm.s32 @!p0 $0x1C01  }
0x9d: {  	[timem:s3], [sflag:s2] =	dma.local @!p0 [hbm:s0], s1  }
0x9e: {  	s0 =	simm.s32 @!p0 $0x1  }
0x9f: {  	_ =	swait.ge @!p0 [sflag:s0], s1  }
0xa0: {  	s1 =	ssub.s32 @!p0 $0x0, s1;
	[sflag:s0] =	ssyncset.done @!p0 $0x0  }
0xa1: {  	[sflag:s0] =	ssyncadd.s32 @!p0 s1  }
0xa2: {  	[bflag:$0x3] =	sbarrier.arrive $0xFFFF  }
0xa3: {  	_ =	shalt  }

</sc_bundles>
